<compile_context>
chip_gen: v7x
topology: tpu7x:2x2x1
jax: 0.10.2.dev20260603
libtpu: 0.0.44.dev20260713+nightly
codegen_flags: <defaults>
</compile_context>

<pallas_src>
import functools

import jax
import jax.numpy as jnp
from jax import lax
from jax.experimental import pallas as pl
from jax.experimental.pallas import tpu as pltpu
from jax.experimental.pallas import tpu_sc as plsc

VOCAB = 100000
EMBED_DIM = 16
BATCH = 1024
CTX = 20

_INFO = plsc.get_sparse_core_info()
_NC, _NS = _INFO.num_cores, _INFO.num_subcores
_NW = _NC * _NS
_BPW = BATCH // _NW


_EPW = _BPW * CTX * EMBED_DIM


def _make_gather_mean():
    mesh = plsc.VectorSubcoreMesh(core_axis_name="c", subcore_axis_name="s")

    @functools.partial(
        pl.kernel,
        mesh=mesh,
        out_type=jax.ShapeDtypeStruct((BATCH, EMBED_DIM), jnp.float32),
        scratch_types=[
            pltpu.VMEM((_BPW * CTX,), jnp.int32),
            pltpu.VMEM((_EPW,), jnp.int32),
            pltpu.VMEM((_EPW,), jnp.float32),
            pltpu.VMEM((_BPW, EMBED_DIM), jnp.float32),
            pltpu.SemaphoreType.DMA,
        ],
        compiler_params=pltpu.CompilerParams(
            use_tc_tiling_on_sc=False, needs_layout_passes=False
        ),
    )
    def gather_mean(ctx_hbm, tablet_hbm, out_hbm, ctx_v, idx_v, rows_v, out_v, sem):
        wid = lax.axis_index("s") * _NC + lax.axis_index("c")
        base = wid * _BPW
        pltpu.sync_copy(ctx_hbm.at[pl.ds(base * CTX, _BPW * CTX)], ctx_v)

        def build(kc, _):
            kvec = (lax.iota(jnp.int32, 16) + kc * 16) * EMBED_DIM
            c16 = ctx_v[pl.ds(kc * 16, 16)]
            for d in range(EMBED_DIM):
                plsc.store_scatter(idx_v, [kvec + d], c16 + d * VOCAB)
            return 0

        lax.fori_loop(0, (_BPW * CTX) // 16, build, 0)
        pltpu.async_copy(tablet_hbm.at[idx_v], rows_v, sem).wait()

        def body(b, _):
            acc = rows_v[pl.ds(b * (CTX * EMBED_DIM), EMBED_DIM)]
            for j in range(1, CTX):
                acc = acc + rows_v[
                    pl.ds(b * (CTX * EMBED_DIM) + j * EMBED_DIM, EMBED_DIM)
                ]
            out_v[b] = acc * (1.0 / CTX)
            return 0

        lax.fori_loop(0, _BPW, body, 0)
        pltpu.sync_copy(out_v, out_hbm.at[pl.ds(base, _BPW)])

    return gather_mean


_gather_mean = _make_gather_mean()

_VT = 2560
_NVT = (VOCAB + _VT - 1) // _VT


def _mm_body(wt_ref, avg_ref, b_ref, outt_ref):
    wtb = jnp.concatenate([wt_ref[...], b_ref[...]], axis=0)
    avg1 = jnp.concatenate(
        [avg_ref[...], jnp.ones((BATCH, 1), jnp.float32)], axis=1
    )
    outt_ref[...] = lax.dot_general(
        wtb,
        avg1,
        (((0,), (1,)), ((), ())),
        preferred_element_type=jnp.float32,
        precision=lax.Precision.DEFAULT,
    )


def _projection(avg, Wt, bcol):
    return pl.pallas_call(
        _mm_body,
        grid=(_NVT,),
        in_specs=[
            pl.BlockSpec((EMBED_DIM, _VT), lambda i: (0, i)),
            pl.BlockSpec((BATCH, EMBED_DIM), lambda i: (0, 0)),
            pl.BlockSpec((1, _VT), lambda i: (0, i)),
        ],
        out_specs=pl.BlockSpec((_VT, BATCH), lambda i: (i, 0)),
        out_shape=jax.ShapeDtypeStruct((VOCAB, BATCH), jnp.float32),
        compiler_params=pltpu.CompilerParams(
            dimension_semantics=("arbitrary",),
        ),
    )(Wt, avg, bcol)


@jax.jit
def kernel(context_words, in_emb, W, b):
    ctx_flat = context_words.reshape(-1).astype(jnp.int32)
    tablet_flat = in_emb.T.reshape(-1)
    avg = _gather_mean(ctx_flat, tablet_flat)
    logits_t = _projection(avg, W.T, b.reshape(1, VOCAB))
    return logits_t.T

# --- scband reference (transcript-rebuilt; emitter-appended) ---
"""Pipeline reference for scband-cbowmodel-53601191854753 (READ-ONLY COPY).

The authoritative reference and input builder live on the scoring server;
editing this copy changes nothing except your own understanding.
"""

import jax, jax.numpy as jnp
import numpy as np

VOCAB = 100000
EMBED_DIM = 16
BATCH = 1024
CTX = 20

def setup_inputs(seed: int = 0) -> dict:
    key = jax.random.key(seed)
    k1, k2, k3, k4 = jax.random.split(key, 4)
    context_words = jax.random.randint(k1, (BATCH, CTX), 0, VOCAB, dtype=jnp.int64 if jax.config.jax_enable_x64 else jnp.int32)
    in_emb = jax.random.normal(k2, (VOCAB, EMBED_DIM), dtype=jnp.float32) * 0.02
    W = jax.random.normal(k3, (VOCAB, EMBED_DIM), dtype=jnp.float32) * 0.02
    b = jnp.zeros((VOCAB,), dtype=jnp.float32)
    return {"context_words": context_words, "in_emb": in_emb, "W": W, "b": b}

def reference(context_words, in_emb, W, b):
    # nn.Embedding lookup -> gather rows
    embeds = jnp.take(in_emb, context_words, axis=0)          # [B, CTX, D]
    avg_embeds = jnp.mean(embeds, axis=1)                     # [B, D]
    # nn.Linear(embedding_dim, vocab_size): y = x @ W.T + b
    logits = avg_embeds @ W.T + b                             # [B, VOCAB]
    return logits

if __name__ == "__main__":
    import jax
    _d = setup_inputs()
    print(jax.jit(kernel)(*tuple(_d.values())))

</pallas_src>

<mosaic_0001>
#map = affine_map<(d0, d1) -> (0)>
#map1 = affine_map<(d0, d1) -> (0, 0)>
module attributes {stable_mosaic.version = 14 : i64} {
  func.func @gather_mean(%arg0: i32, %arg1: i32, %arg2: memref<20480xi32, #tpu.memory_space<hbm>>, %arg3: memref<1600000xf32, #tpu.memory_space<hbm>>, %arg4: memref<1024x16xf32, #tpu.memory_space<hbm>>, %arg5: memref<640xi32, #tpu.memory_space<vmem>>, %arg6: memref<10240xi32, #tpu.memory_space<vmem>>, %arg7: memref<10240xf32, #tpu.memory_space<vmem>>, %arg8: memref<32x16xf32, #tpu.memory_space<vmem>>, %arg9: memref<!tpu.dma_semaphore, #tpu.memory_space<semaphore_mem>>) attributes {dimension_semantics = [#tpu.dimension_semantics<core_parallel>, #tpu.dimension_semantics<subcore_parallel>], iteration_bounds = array<i64: 2, 16>, scalar_prefetch = 0 : i64, scratch_operands = 5 : i64, tpu.core_type = #tpu.core_type<sc_vector_subcore>, window_params = [{transform_indices = #map}, {transform_indices = #map}, {transform_indices = #map1}]} {
    %mul3A = arith.constant 2 : i32
    %mul3A_0 = arith.muli %arg1, %mul3A : i32
    %add3A = arith.addi %mul3A_0, %arg0 : i32
    %mul3A_1 = arith.constant 32 : i32
    %mul3A_2 = arith.muli %add3A, %mul3A_1 : i32
    %mul3A_3 = arith.constant 20 : i32
    %mul3A_4 = arith.muli %mul3A_2, %mul3A_3 : i32
    "tpu.region"() ({
      %run_scoped3A = tpu.sem_alloc : memref<!tpu.dma_semaphore, #tpu.memory_space<semaphore_mem>>
      %dma_start3A_20 = tpu.memref_slice %arg2[%mul3A_4] : memref<20480xi32, #tpu.memory_space<hbm>> -> memref<640xi32, #tpu.memory_space<hbm>>
      %dma_start3A_21 = tpu.memref_slice %arg2[%mul3A_4] : memref<20480xi32, #tpu.memory_space<hbm>> -> memref<640xi32, #tpu.memory_space<hbm>>
      tpu.enqueue_dma source(%dma_start3A_21 : memref<640xi32, #tpu.memory_space<hbm>>) target(%arg5 : memref<640xi32, #tpu.memory_space<vmem>>) target_semaphore(%run_scoped3A : memref<!tpu.dma_semaphore, #tpu.memory_space<semaphore_mem>>)
      %dma_wait3A_22 = tpu.memref_slice %arg2[%mul3A_4] : memref<20480xi32, #tpu.memory_space<hbm>> -> memref<640xi32, #tpu.memory_space<hbm>>
      %dma_wait3A_23 = tpu.memref_slice %arg2[%mul3A_4] : memref<20480xi32, #tpu.memory_space<hbm>> -> memref<640xi32, #tpu.memory_space<hbm>>
      tpu.wait_dma2 semaphore(%run_scoped3A : memref<!tpu.dma_semaphore, #tpu.memory_space<semaphore_mem>>) src(%dma_wait3A_23 : memref<640xi32, #tpu.memory_space<hbm>>) dst(%arg5 : memref<640xi32, #tpu.memory_space<vmem>>)
      tpu.yield
    }) : () -> ()
    %scan3A = arith.constant 0 : i32
    %scan3A_5 = arith.constant 0 : i32
    %scan3A_6 = arith.constant 40 : i32
    %scan3A_7 = arith.addi %scan3A_5, %scan3A_6 : i32
    %scan3A_8 = arith.constant 1 : i32
    %scan3A_9 = scf.for %scan3A_20 = %scan3A_5 to %scan3A_7 step %scan3A_8 iter_args(%scan3A_21 = %scan3A) -> (i32)  : i32 {
      %iota3A = tpu.iota {dimensions = array<i32: 0>} : vector<16xi32>
      %mul3A_22 = arith.constant 16 : i32
      %mul3A_23 = arith.muli %scan3A_20, %mul3A_22 : i32
      %add3A_24 = vector.broadcast %mul3A_23 : i32 to vector<16xi32>
      %add3A_25 = arith.addi %iota3A, %add3A_24 : vector<16xi32>
      %mul3A_26 = arith.constant 16 : i32
      %mul3A_27 = vector.broadcast %mul3A_26 : i32 to vector<16xi32>
      %mul3A_28 = arith.muli %add3A_25, %mul3A_27 : vector<16xi32>
      %mul3A_29 = arith.constant 16 : i32
      %mul3A_30 = arith.muli %scan3A_20, %mul3A_29 : i32
      %get3A = arith.index_cast %mul3A_30 : i32 to index
      %get3A_31 = tpu.vector_load %arg5[%get3A] {strides = array<i32>} : memref<640xi32, #tpu.memory_space<vmem>>, vector<16xi32>,
      %add3A_32 = arith.constant 0 : i32
      %add3A_33 = vector.broadcast %add3A_32 : i32 to vector<16xi32>
      %add3A_34 = arith.addi %mul3A_28, %add3A_33 : vector<16xi32>
      %add3A_35 = arith.constant 0 : i32
      %add3A_36 = vector.broadcast %add3A_35 : i32 to vector<16xi32>
      %add3A_37 = arith.addi %get3A_31, %add3A_36 : vector<16xi32>
      tpu.vector_store_idx %arg6[%add3A_34], %add3A_37 : memref<10240xi32, #tpu.memory_space<vmem>>[vector<16xi32>], vector<16xi32>,
      %add3A_38 = arith.constant 1 : i32
      %add3A_39 = vector.broadcast %add3A_38 : i32 to vector<16xi32>
      %add3A_40 = arith.addi %mul3A_28, %add3A_39 : vector<16xi32>
      %add3A_41 = arith.constant 100000 : i32
      %add3A_42 = vector.broadcast %add3A_41 : i32 to vector<16xi32>
      %add3A_43 = arith.addi %get3A_31, %add3A_42 : vector<16xi32>
      tpu.vector_store_idx %arg6[%add3A_40], %add3A_43 : memref<10240xi32, #tpu.memory_space<vmem>>[vector<16xi32>], vector<16xi32>,
      %add3A_44 = arith.constant 2 : i32
      %add3A_45 = vector.broadcast %add3A_44 : i32 to vector<16xi32>
      %add3A_46 = arith.addi %mul3A_28, %add3A_45 : vector<16xi32>
      %add3A_47 = arith.constant 200000 : i32
      %add3A_48 = vector.broadcast %add3A_47 : i32 to vector<16xi32>
      %add3A_49 = arith.addi %get3A_31, %add3A_48 : vector<16xi32>
      tpu.vector_store_idx %arg6[%add3A_46], %add3A_49 : memref<10240xi32, #tpu.memory_space<vmem>>[vector<16xi32>], vector<16xi32>,
      %add3A_50 = arith.constant 3 : i32
      %add3A_51 = vector.broadcast %add3A_50 : i32 to vector<16xi32>
      %add3A_52 = arith.addi %mul3A_28, %add3A_51 : vector<16xi32>
      %add3A_53 = arith.constant 300000 : i32
      %add3A_54 = vector.broadcast %add3A_53 : i32 to vector<16xi32>
      %add3A_55 = arith.addi %get3A_31, %add3A_54 : vector<16xi32>
      tpu.vector_store_idx %arg6[%add3A_52], %add3A_55 : memref<10240xi32, #tpu.memory_space<vmem>>[vector<16xi32>], vector<16xi32>,
      %add3A_56 = arith.constant 4 : i32
      %add3A_57 = vector.broadcast %add3A_56 : i32 to vector<16xi32>
      %add3A_58 = arith.addi %mul3A_28, %add3A_57 : vector<16xi32>
      %add3A_59 = arith.constant 400000 : i32
      %add3A_60 = vector.broadcast %add3A_59 : i32 to vector<16xi32>
      %add3A_61 = arith.addi %get3A_31, %add3A_60 : vector<16xi32>
      tpu.vector_store_idx %arg6[%add3A_58], %add3A_61 : memref<10240xi32, #tpu.memory_space<vmem>>[vector<16xi32>], vector<16xi32>,
      %add3A_62 = arith.constant 5 : i32
      %add3A_63 = vector.broadcast %add3A_62 : i32 to vector<16xi32>
      %add3A_64 = arith.addi %mul3A_28, %add3A_63 : vector<16xi32>
      %add3A_65 = arith.constant 500000 : i32
      %add3A_66 = vector.broadcast %add3A_65 : i32 to vector<16xi32>
      %add3A_67 = arith.addi %get3A_31, %add3A_66 : vector<16xi32>
      tpu.vector_store_idx %arg6[%add3A_64], %add3A_67 : memref<10240xi32, #tpu.memory_space<vmem>>[vector<16xi32>], vector<16xi32>,
      %add3A_68 = arith.constant 6 : i32
      %add3A_69 = vector.broadcast %add3A_68 : i32 to vector<16xi32>
      %add3A_70 = arith.addi %mul3A_28, %add3A_69 : vector<16xi32>
      %add3A_71 = arith.constant 600000 : i32
      %add3A_72 = vector.broadcast %add3A_71 : i32 to vector<16xi32>
      %add3A_73 = arith.addi %get3A_31, %add3A_72 : vector<16xi32>
      tpu.vector_store_idx %arg6[%add3A_70], %add3A_73 : memref<10240xi32, #tpu.memory_space<vmem>>[vector<16xi32>], vector<16xi32>,
      %add3A_74 = arith.constant 7 : i32
      %add3A_75 = vector.broadcast %add3A_74 : i32 to vector<16xi32>
      %add3A_76 = arith.addi %mul3A_28, %add3A_75 : vector<16xi32>
      %add3A_77 = arith.constant 700000 : i32
      %add3A_78 = vector.broadcast %add3A_77 : i32 to vector<16xi32>
      %add3A_79 = arith.addi %get3A_31, %add3A_78 : vector<16xi32>
      tpu.vector_store_idx %arg6[%add3A_76], %add3A_79 : memref<10240xi32, #tpu.memory_space<vmem>>[vector<16xi32>], vector<16xi32>,
      %add3A_80 = arith.constant 8 : i32
      %add3A_81 = vector.broadcast %add3A_80 : i32 to vector<16xi32>
      %add3A_82 = arith.addi %mul3A_28, %add3A_81 : vector<16xi32>
      %add3A_83 = arith.constant 800000 : i32
      %add3A_84 = vector.broadcast %add3A_83 : i32 to vector<16xi32>
      %add3A_85 = arith.addi %get3A_31, %add3A_84 : vector<16xi32>
      tpu.vector_store_idx %arg6[%add3A_82], %add3A_85 : memref<10240xi32, #tpu.memory_space<vmem>>[vector<16xi32>], vector<16xi32>,
      %add3A_86 = arith.constant 9 : i32
      %add3A_87 = vector.broadcast %add3A_86 : i32 to vector<16xi32>
      %add3A_88 = arith.addi %mul3A_28, %add3A_87 : vector<16xi32>
      %add3A_89 = arith.constant 900000 : i32
      %add3A_90 = vector.broadcast %add3A_89 : i32 to vector<16xi32>
      %add3A_91 = arith.addi %get3A_31, %add3A_90 : vector<16xi32>
      tpu.vector_store_idx %arg6[%add3A_88], %add3A_91 : memref<10240xi32, #tpu.memory_space<vmem>>[vector<16xi32>], vector<16xi32>,
      %add3A_92 = arith.constant 10 : i32
      %add3A_93 = vector.broadcast %add3A_92 : i32 to vector<16xi32>
      %add3A_94 = arith.addi %mul3A_28, %add3A_93 : vector<16xi32>
      %add3A_95 = arith.constant 1000000 : i32
      %add3A_96 = vector.broadcast %add3A_95 : i32 to vector<16xi32>
      %add3A_97 = arith.addi %get3A_31, %add3A_96 : vector<16xi32>
      tpu.vector_store_idx %arg6[%add3A_94], %add3A_97 : memref<10240xi32, #tpu.memory_space<vmem>>[vector<16xi32>], vector<16xi32>,
      %add3A_98 = arith.constant 11 : i32
      %add3A_99 = vector.broadcast %add3A_98 : i32 to vector<16xi32>
      %add3A_100 = arith.addi %mul3A_28, %add3A_99 : vector<16xi32>
      %add3A_101 = arith.constant 1100000 : i32
      %add3A_102 = vector.broadcast %add3A_101 : i32 to vector<16xi32>
      %add3A_103 = arith.addi %get3A_31, %add3A_102 : vector<16xi32>
      tpu.vector_store_idx %arg6[%add3A_100], %add3A_103 : memref<10240xi32, #tpu.memory_space<vmem>>[vector<16xi32>], vector<16xi32>,
      %add3A_104 = arith.constant 12 : i32
      %add3A_105 = vector.broadcast %add3A_104 : i32 to vector<16xi32>
      %add3A_106 = arith.addi %mul3A_28, %add3A_105 : vector<16xi32>
      %add3A_107 = arith.constant 1200000 : i32
      %add3A_108 = vector.broadcast %add3A_107 : i32 to vector<16xi32>
      %add3A_109 = arith.addi %get3A_31, %add3A_108 : vector<16xi32>
      tpu.vector_store_idx %arg6[%add3A_106], %add3A_109 : memref<10240xi32, #tpu.memory_space<vmem>>[vector<16xi32>], vector<16xi32>,
      %add3A_110 = arith.constant 13 : i32
      %add3A_111 = vector.broadcast %add3A_110 : i32 to vector<16xi32>
      %add3A_112 = arith.addi %mul3A_28, %add3A_111 : vector<16xi32>
      %add3A_113 = arith.constant 1300000 : i32
      %add3A_114 = vector.broadcast %add3A_113 : i32 to vector<16xi32>
      %add3A_115 = arith.addi %get3A_31, %add3A_114 : vector<16xi32>
      tpu.vector_store_idx %arg6[%add3A_112], %add3A_115 : memref<10240xi32, #tpu.memory_space<vmem>>[vector<16xi32>], vector<16xi32>,
      %add3A_116 = arith.constant 14 : i32
      %add3A_117 = vector.broadcast %add3A_116 : i32 to vector<16xi32>
      %add3A_118 = arith.addi %mul3A_28, %add3A_117 : vector<16xi32>
      %add3A_119 = arith.constant 1400000 : i32
      %add3A_120 = vector.broadcast %add3A_119 : i32 to vector<16xi32>
      %add3A_121 = arith.addi %get3A_31, %add3A_120 : vector<16xi32>
      tpu.vector_store_idx %arg6[%add3A_118], %add3A_121 : memref<10240xi32, #tpu.memory_space<vmem>>[vector<16xi32>], vector<16xi32>,
      %add3A_122 = arith.constant 15 : i32
      %add3A_123 = vector.broadcast %add3A_122 : i32 to vector<16xi32>
      %add3A_124 = arith.addi %mul3A_28, %add3A_123 : vector<16xi32>
      %add3A_125 = arith.constant 1500000 : i32
      %add3A_126 = vector.broadcast %add3A_125 : i32 to vector<16xi32>
      %add3A_127 = arith.addi %get3A_31, %add3A_126 : vector<16xi32>
      tpu.vector_store_idx %arg6[%add3A_124], %add3A_127 : memref<10240xi32, #tpu.memory_space<vmem>>[vector<16xi32>], vector<16xi32>,
      %scan3A_128 = arith.constant 0 : i32
      scf.yield %scan3A_128 : i32
    }
    %scan3A_10 = arith.constant 40 : i32
    %dma_start3A = arith.constant 0 : i32
    %dma_start3A_11 = tpu.memref_slice %arg3[%dma_start3A] : memref<1600000xf32, #tpu.memory_space<hbm>> -> memref<1600000xf32, #tpu.memory_space<hbm>>
    tpu.enqueue_indirect_dma source(%dma_start3A_11 : memref<1600000xf32, #tpu.memory_space<hbm>>) target(%arg7 : memref<10240xf32, #tpu.memory_space<vmem>>) offsets(%arg6 : memref<10240xi32, #tpu.memory_space<vmem>>) semaphore(%arg9 : memref<!tpu.dma_semaphore, #tpu.memory_space<semaphore_mem>>)
    %dma_wait3A = arith.constant 0 : i32
    %dma_wait3A_12 = tpu.memref_slice %arg3[%dma_wait3A] : memref<1600000xf32, #tpu.memory_space<hbm>> -> memref<1600000xf32, #tpu.memory_space<hbm>>
    tpu.wait_indirect_dma semaphore(%arg9 : memref<!tpu.dma_semaphore, #tpu.memory_space<semaphore_mem>>) src(%dma_wait3A_12 : memref<1600000xf32, #tpu.memory_space<hbm>>) dst(%arg7 : memref<10240xf32, #tpu.memory_space<vmem>>)
    %scan3A_13 = arith.constant 0 : i32
    %scan3A_14 = arith.constant 0 : i32
    %scan3A_15 = arith.constant 32 : i32
    %scan3A_16 = arith.addi %scan3A_14, %scan3A_15 : i32
    %scan3A_17 = arith.constant 1 : i32
    %scan3A_18 = scf.for %scan3A_20 = %scan3A_14 to %scan3A_16 step %scan3A_17 iter_args(%scan3A_21 = %scan3A_13) -> (i32)  : i32 {
      %mul3A_22 = arith.constant 320 : i32
      %mul3A_23 = arith.muli %scan3A_20, %mul3A_22 : i32
      %get3A = arith.index_cast %mul3A_23 : i32 to index
      %get3A_24 = tpu.vector_load %arg7[%get3A] {strides = array<i32>} : memref<10240xf32, #tpu.memory_space<vmem>>, vector<16xf32>,
      %mul3A_25 = arith.constant 320 : i32
      %mul3A_26 = arith.muli %scan3A_20, %mul3A_25 : i32
      %add3A_27 = arith.constant 16 : i32
      %add3A_28 = arith.addi %mul3A_26, %add3A_27 : i32
      %get3A_29 = arith.index_cast %add3A_28 : i32 to index
      %get3A_30 = tpu.vector_load %arg7[%get3A_29] {strides = array<i32>} : memref<10240xf32, #tpu.memory_space<vmem>>, vector<16xf32>,
      %add3A_31 = arith.addf %get3A_24, %get3A_30 : vector<16xf32>
      %mul3A_32 = arith.constant 320 : i32
      %mul3A_33 = arith.muli %scan3A_20, %mul3A_32 : i32
      %add3A_34 = arith.constant 32 : i32
      %add3A_35 = arith.addi %mul3A_33, %add3A_34 : i32
      %get3A_36 = arith.index_cast %add3A_35 : i32 to index
      %get3A_37 = tpu.vector_load %arg7[%get3A_36] {strides = array<i32>} : memref<10240xf32, #tpu.memory_space<vmem>>, vector<16xf32>,
      %add3A_38 = arith.addf %add3A_31, %get3A_37 : vector<16xf32>
      %mul3A_39 = arith.constant 320 : i32
      %mul3A_40 = arith.muli %scan3A_20, %mul3A_39 : i32
      %add3A_41 = arith.constant 48 : i32
      %add3A_42 = arith.addi %mul3A_40, %add3A_41 : i32
      %get3A_43 = arith.index_cast %add3A_42 : i32 to index
      %get3A_44 = tpu.vector_load %arg7[%get3A_43] {strides = array<i32>} : memref<10240xf32, #tpu.memory_space<vmem>>, vector<16xf32>,
      %add3A_45 = arith.addf %add3A_38, %get3A_44 : vector<16xf32>
      %mul3A_46 = arith.constant 320 : i32
      %mul3A_47 = arith.muli %scan3A_20, %mul3A_46 : i32
      %add3A_48 = arith.constant 64 : i32
      %add3A_49 = arith.addi %mul3A_47, %add3A_48 : i32
      %get3A_50 = arith.index_cast %add3A_49 : i32 to index
      %get3A_51 = tpu.vector_load %arg7[%get3A_50] {strides = array<i32>} : memref<10240xf32, #tpu.memory_space<vmem>>, vector<16xf32>,
      %add3A_52 = arith.addf %add3A_45, %get3A_51 : vector<16xf32>
      %mul3A_53 = arith.constant 320 : i32
      %mul3A_54 = arith.muli %scan3A_20, %mul3A_53 : i32
      %add3A_55 = arith.constant 80 : i32
      %add3A_56 = arith.addi %mul3A_54, %add3A_55 : i32
      %get3A_57 = arith.index_cast %add3A_56 : i32 to index
      %get3A_58 = tpu.vector_load %arg7[%get3A_57] {strides = array<i32>} : memref<10240xf32, #tpu.memory_space<vmem>>, vector<16xf32>,
      %add3A_59 = arith.addf %add3A_52, %get3A_58 : vector<16xf32>
      %mul3A_60 = arith.constant 320 : i32
      %mul3A_61 = arith.muli %scan3A_20, %mul3A_60 : i32
      %add3A_62 = arith.constant 96 : i32
      %add3A_63 = arith.addi %mul3A_61, %add3A_62 : i32
      %get3A_64 = arith.index_cast %add3A_63 : i32 to index
      %get3A_65 = tpu.vector_load %arg7[%get3A_64] {strides = array<i32>} : memref<10240xf32, #tpu.memory_space<vmem>>, vector<16xf32>,
      %add3A_66 = arith.addf %add3A_59, %get3A_65 : vector<16xf32>
      %mul3A_67 = arith.constant 320 : i32
      %mul3A_68 = arith.muli %scan3A_20, %mul3A_67 : i32
      %add3A_69 = arith.constant 112 : i32
      %add3A_70 = arith.addi %mul3A_68, %add3A_69 : i32
      %get3A_71 = arith.index_cast %add3A_70 : i32 to index
      %get3A_72 = tpu.vector_load %arg7[%get3A_71] {strides = array<i32>} : memref<10240xf32, #tpu.memory_space<vmem>>, vector<16xf32>,
      %add3A_73 = arith.addf %add3A_66, %get3A_72 : vector<16xf32>
      %mul3A_74 = arith.constant 320 : i32
      %mul3A_75 = arith.muli %scan3A_20, %mul3A_74 : i32
      %add3A_76 = arith.constant 128 : i32
      %add3A_77 = arith.addi %mul3A_75, %add3A_76 : i32
      %get3A_78 = arith.index_cast %add3A_77 : i32 to index
      %get3A_79 = tpu.vector_load %arg7[%get3A_78] {strides = array<i32>} : memref<10240xf32, #tpu.memory_space<vmem>>, vector<16xf32>,
      %add3A_80 = arith.addf %add3A_73, %get3A_79 : vector<16xf32>
      %mul3A_81 = arith.constant 320 : i32
      %mul3A_82 = arith.muli %scan3A_20, %mul3A_81 : i32
      %add3A_83 = arith.constant 144 : i32
      %add3A_84 = arith.addi %mul3A_82, %add3A_83 : i32
      %get3A_85 = arith.index_cast %add3A_84 : i32 to index
      %get3A_86 = tpu.vector_load %arg7[%get3A_85] {strides = array<i32>} : memref<10240xf32, #tpu.memory_space<vmem>>, vector<16xf32>,
      %add3A_87 = arith.addf %add3A_80, %get3A_86 : vector<16xf32>
      %mul3A_88 = arith.constant 320 : i32
      %mul3A_89 = arith.muli %scan3A_20, %mul3A_88 : i32
      %add3A_90 = arith.constant 160 : i32
      %add3A_91 = arith.addi %mul3A_89, %add3A_90 : i32
      %get3A_92 = arith.index_cast %add3A_91 : i32 to index
      %get3A_93 = tpu.vector_load %arg7[%get3A_92] {strides = array<i32>} : memref<10240xf32, #tpu.memory_space<vmem>>, vector<16xf32>,
      %add3A_94 = arith.addf %add3A_87, %get3A_93 : vector<16xf32>
      %mul3A_95 = arith.constant 320 : i32
      %mul3A_96 = arith.muli %scan3A_20, %mul3A_95 : i32
      %add3A_97 = arith.constant 176 : i32
      %add3A_98 = arith.addi %mul3A_96, %add3A_97 : i32
      %get3A_99 = arith.index_cast %add3A_98 : i32 to index
      %get3A_100 = tpu.vector_load %arg7[%get3A_99] {strides = array<i32>} : memref<10240xf32, #tpu.memory_space<vmem>>, vector<16xf32>,
      %add3A_101 = arith.addf %add3A_94, %get3A_100 : vector<16xf32>
      %mul3A_102 = arith.constant 320 : i32
      %mul3A_103 = arith.muli %scan3A_20, %mul3A_102 : i32
      %add3A_104 = arith.constant 192 : i32
      %add3A_105 = arith.addi %mul3A_103, %add3A_104 : i32
      %get3A_106 = arith.index_cast %add3A_105 : i32 to index
      %get3A_107 = tpu.vector_load %arg7[%get3A_106] {strides = array<i32>} : memref<10240xf32, #tpu.memory_space<vmem>>, vector<16xf32>,
      %add3A_108 = arith.addf %add3A_101, %get3A_107 : vector<16xf32>
      %mul3A_109 = arith.constant 320 : i32
      %mul3A_110 = arith.muli %scan3A_20, %mul3A_109 : i32
      %add3A_111 = arith.constant 208 : i32
      %add3A_112 = arith.addi %mul3A_110, %add3A_111 : i32
      %get3A_113 = arith.index_cast %add3A_112 : i32 to index
      %get3A_114 = tpu.vector_load %arg7[%get3A_113] {strides = array<i32>} : memref<10240xf32, #tpu.memory_space<vmem>>, vector<16xf32>,
      %add3A_115 = arith.addf %add3A_108, %get3A_114 : vector<16xf32>
      %mul3A_116 = arith.constant 320 : i32
      %mul3A_117 = arith.muli %scan3A_20, %mul3A_116 : i32
      %add3A_118 = arith.constant 224 : i32
      %add3A_119 = arith.addi %mul3A_117, %add3A_118 : i32
      %get3A_120 = arith.index_cast %add3A_119 : i32 to index
      %get3A_121 = tpu.vector_load %arg7[%get3A_120] {strides = array<i32>} : memref<10240xf32, #tpu.memory_space<vmem>>, vector<16xf32>,
      %add3A_122 = arith.addf %add3A_115, %get3A_121 : vector<16xf32>
      %mul3A_123 = arith.constant 320 : i32
      %mul3A_124 = arith.muli %scan3A_20, %mul3A_123 : i32
      %add3A_125 = arith.constant 240 : i32
      %add3A_126 = arith.addi %mul3A_124, %add3A_125 : i32
      %get3A_127 = arith.index_cast %add3A_126 : i32 to index
      %get3A_128 = tpu.vector_load %arg7[%get3A_127] {strides = array<i32>} : memref<10240xf32, #tpu.memory_space<vmem>>, vector<16xf32>,
      %add3A_129 = arith.addf %add3A_122, %get3A_128 : vector<16xf32>
      %mul3A_130 = arith.constant 320 : i32
      %mul3A_131 = arith.muli %scan3A_20, %mul3A_130 : i32
      %add3A_132 = arith.constant 256 : i32
      %add3A_133 = arith.addi %mul3A_131, %add3A_132 : i32
      %get3A_134 = arith.index_cast %add3A_133 : i32 to index
      %get3A_135 = tpu.vector_load %arg7[%get3A_134] {strides = array<i32>} : memref<10240xf32, #tpu.memory_space<vmem>>, vector<16xf32>,
      %add3A_136 = arith.addf %add3A_129, %get3A_135 : vector<16xf32>
      %mul3A_137 = arith.constant 320 : i32
      %mul3A_138 = arith.muli %scan3A_20, %mul3A_137 : i32
      %add3A_139 = arith.constant 272 : i32
      %add3A_140 = arith.addi %mul3A_138, %add3A_139 : i32
      %get3A_141 = arith.index_cast %add3A_140 : i32 to index
      %get3A_142 = tpu.vector_load %arg7[%get3A_141] {strides = array<i32>} : memref<10240xf32, #tpu.memory_space<vmem>>, vector<16xf32>,
      %add3A_143 = arith.addf %add3A_136, %get3A_142 : vector<16xf32>
      %mul3A_144 = arith.constant 320 : i32
      %mul3A_145 = arith.muli %scan3A_20, %mul3A_144 : i32
      %add3A_146 = arith.constant 288 : i32
      %add3A_147 = arith.addi %mul3A_145, %add3A_146 : i32
      %get3A_148 = arith.index_cast %add3A_147 : i32 to index
      %get3A_149 = tpu.vector_load %arg7[%get3A_148] {strides = array<i32>} : memref<10240xf32, #tpu.memory_space<vmem>>, vector<16xf32>,
      %add3A_150 = arith.addf %add3A_143, %get3A_149 : vector<16xf32>
      %mul3A_151 = arith.constant 320 : i32
      %mul3A_152 = arith.muli %scan3A_20, %mul3A_151 : i32
      %add3A_153 = arith.constant 304 : i32
      %add3A_154 = arith.addi %mul3A_152, %add3A_153 : i32
      %get3A_155 = arith.index_cast %add3A_154 : i32 to index
      %get3A_156 = tpu.vector_load %arg7[%get3A_155] {strides = array<i32>} : memref<10240xf32, #tpu.memory_space<vmem>>, vector<16xf32>,
      %add3A_157 = arith.addf %add3A_150, %get3A_156 : vector<16xf32>
      %mul3A_158 = arith.constant 5.000000e-02 : f32
      %mul3A_159 = vector.broadcast %mul3A_158 : f32 to vector<16xf32>
      %mul3A_160 = arith.mulf %add3A_157, %mul3A_159 : vector<16xf32>
      %swap3A = arith.index_cast %scan3A_20 : i32 to index
      %swap3A_161 = arith.constant 0 : index
      %swap3A_162 = tpu.vector_load %arg8[%swap3A, %swap3A_161] {strides = array<i32>} : memref<32x16xf32, #tpu.memory_space<vmem>>, vector<16xf32>,
      tpu.vector_store %arg8[%swap3A, %swap3A_161], %mul3A_160 {strides = array<i32>} : memref<32x16xf32, #tpu.memory_space<vmem>>, vector<16xf32>,
      %scan3A_163 = arith.constant 0 : i32
      scf.yield %scan3A_163 : i32
    }
    %scan3A_19 = arith.constant 32 : i32
    "tpu.region"() ({
      %run_scoped3A = tpu.sem_alloc : memref<!tpu.dma_semaphore, #tpu.memory_space<semaphore_mem>>
      %dma_start3A_20 = arith.constant 0 : i32
      %dma_start3A_21 = tpu.memref_slice %arg4[%mul3A_2, %dma_start3A_20] : memref<1024x16xf32, #tpu.memory_space<hbm>> -> memref<32x16xf32, #tpu.memory_space<hbm>>
      %dma_start3A_22 = arith.constant 0 : i32
      %dma_start3A_23 = tpu.memref_slice %arg4[%mul3A_2, %dma_start3A_22] : memref<1024x16xf32, #tpu.memory_space<hbm>> -> memref<32x16xf32, #tpu.memory_space<hbm>>
      tpu.enqueue_dma source(%arg8 : memref<32x16xf32, #tpu.memory_space<vmem>>) target(%dma_start3A_23 : memref<32x16xf32, #tpu.memory_space<hbm>>) target_semaphore(%run_scoped3A : memref<!tpu.dma_semaphore, #tpu.memory_space<semaphore_mem>>)
      %dma_wait3A_24 = arith.constant 0 : i32
      %dma_wait3A_25 = tpu.memref_slice %arg4[%mul3A_2, %dma_wait3A_24] : memref<1024x16xf32, #tpu.memory_space<hbm>> -> memref<32x16xf32, #tpu.memory_space<hbm>>
      %dma_wait3A_26 = arith.constant 0 : i32
      %dma_wait3A_27 = tpu.memref_slice %arg4[%mul3A_2, %dma_wait3A_26] : memref<1024x16xf32, #tpu.memory_space<hbm>> -> memref<32x16xf32, #tpu.memory_space<hbm>>
      tpu.wait_dma2 semaphore(%run_scoped3A : memref<!tpu.dma_semaphore, #tpu.memory_space<semaphore_mem>>) src(%arg8 : memref<32x16xf32, #tpu.memory_space<vmem>>) dst(%dma_wait3A_27 : memref<32x16xf32, #tpu.memory_space<hbm>>)
      tpu.yield
    }) : () -> ()
    return
  }
}

module attributes {stable_mosaic.version = 14 : i64} {
  func.func @_mm_body(%arg0: i32, %arg1: memref<16x2560xf32, #tpu.memory_space<vmem>>, %arg2: memref<1024x16xf32, #tpu.memory_space<vmem>>, %arg3: memref<1x2560xf32, #tpu.memory_space<vmem>>, %arg4: memref<2560x1024xf32, #tpu.memory_space<vmem>>) attributes {dimension_semantics = [#tpu.dimension_semantics<arbitrary>], iteration_bounds = array<i64: 40>, scalar_prefetch = 0 : i64, scratch_operands = 0 : i64, tpu.core_type = #tpu.core_type<tc>, window_params = [{transform_indices = @transform_0, window_bounds = array<i64: 16, 2560>}, {pipeline_mode = #tpu.pipeline_mode<synchronous>, transform_indices = @transform_1, window_bounds = array<i64: 1024, 16>}, {transform_indices = @transform_2, window_bounds = array<i64: 1, 2560>}, {transform_indices = @transform_3, window_bounds = array<i64: 2560, 1024>}]} {
    %get3A = arith.constant 0 : index
    %get3A_0 = arith.constant 0 : index
    %get3A_1 = vector.load %arg1[%get3A, %get3A_0] : memref<16x2560xf32, #tpu.memory_space<vmem>>, vector<16x2560xf32>
    %get3A_2 = arith.constant 0 : index
    %get3A_3 = arith.constant 0 : index
    %get3A_4 = vector.load %arg3[%get3A_2, %get3A_3] : memref<1x2560xf32, #tpu.memory_space<vmem>>, vector<1x2560xf32>
    %concatenate3A = tpu.concatenate %get3A_1, %get3A_4 in 0 : vector<16x2560xf32>, vector<1x2560xf32> -> vector<17x2560xf32>
    %get3A_5 = arith.constant 0 : index
    %get3A_6 = arith.constant 0 : index
    %get3A_7 = vector.load %arg2[%get3A_5, %get3A_6] : memref<1024x16xf32, #tpu.memory_space<vmem>>, vector<1024x16xf32>
    %broadcast_in_dim3A = arith.constant 1.000000e+00 : f32
    %broadcast_in_dim3A_8 = vector.broadcast %broadcast_in_dim3A : f32 to vector<1024x1xf32>
    %concatenate3A_9 = tpu.concatenate %get3A_7, %broadcast_in_dim3A_8 in 1 : vector<1024x16xf32>, vector<1024x1xf32> -> vector<1024x17xf32>
    %dot_general3A = arith.constant dense<0.000000e+00> : vector<2560x1024xf32>
    %dot_general3A_10 = tpu.matmul %concatenate3A, %concatenate3A_9, %dot_general3A {dimension_numbers = #tpu.dot_dimension_numbers<[0], [1], [1], [0], [0, 1, 1, 0], [], []>, transpose_lhs_hint = false} : vector<17x2560xf32>, vector<1024x17xf32>, vector<2560x1024xf32> -> vector<2560x1024xf32>
    %swap3A = arith.constant 0 : index
    %swap3A_11 = arith.constant 0 : index
    %swap3A_12 = vector.load %arg4[%swap3A, %swap3A_11] : memref<2560x1024xf32, #tpu.memory_space<vmem>>, vector<2560x1024xf32>
    tpu.vector_store %arg4[%swap3A, %swap3A_11], %dot_general3A_10 {strides = array<i32>} : memref<2560x1024xf32, #tpu.memory_space<vmem>>, vector<2560x1024xf32>,
    return
  }
  func.func @transform_0(%arg0: i32) -> (i32, i32) {
    %c0_i32 = arith.constant 0 : i32
    %c0_i32_0 = arith.constant 0 : i32
    return %c0_i32, %arg0 : i32, i32
  }
  func.func @transform_1(%arg0: i32) -> (i32, i32) {
    %c0_i32 = arith.constant 0 : i32
    %c0_i32_0 = arith.constant 0 : i32
    %c0_i32_1 = arith.constant 0 : i32
    return %c0_i32, %c0_i32_0 : i32, i32
  }
  func.func @transform_2(%arg0: i32) -> (i32, i32) {
    %c0_i32 = arith.constant 0 : i32
    %c0_i32_0 = arith.constant 0 : i32
    return %c0_i32, %arg0 : i32, i32
  }
  func.func @transform_3(%arg0: i32) -> (i32, i32) {
    %c0_i32 = arith.constant 0 : i32
    %c0_i32_0 = arith.constant 0 : i32
    return %arg0, %c0_i32 : i32, i32
  }
}

</mosaic_0001>

<sc_bundles>
// kernel: kernel.4.cloned.1.call-start
scs
__scs_entry_jumppad:
0x0: {  	(pc) =	sbr.rel $0x88, $3  }
0x1: {  	(tag) =	ssettag $0x0;
	lr =	simm.s32 $0x1  }
0x2: {  	[smem:$0x3F9D] =	sst lr;
	_ =	strace $0xD0000000  }
0x3: {  	_ = 	snop  }
0x4: {  	_ = 	snop  }
0x5: {  	_ = 	snop  }
0x6: {  	_ = 	snop  }
0x7: {  	_ = 	snop  }
__scs_overlays_trampoline_lowered:
0x8: {  	[smem:$0x3FAC] =	sst s0  }
0x9: {  	[smem:$0x3FAD] =	sst s1  }
0xa: {  	[smem:$0x3FAE] =	sst s2  }
0xb: {  	[smem:$0x3FAF] =	sst s3  }
0xc: {  	[smem:$0x3FB0] =	sst s4  }
0xd: {  	[smem:$0x3FB1] =	sst s5  }
0xe: {  	[smem:$0x3FB2] =	sst s6  }
0xf: {  	[smem:$0x3FB3] =	sst s7  }
0x10: {  	[smem:$0x3FB4] =	sst s8  }
0x11: {  	[smem:$0x3FB5] =	sst s9;
	s0 =	simm.s32 @!p0 $0x0  }
0x12: {  	s1 =	sld [smem:$0x3F9B];
	s0 =	simm.s32 @p0 $0x1  }
0x13: {  	[smem:$0x3FB6] =	sst s0;
	s0 =	simm.s32 @!p1 $0x0  }
0x14: {  	s2 =	sld [smem:$0x3F9A];
	s0 =	simm.s32 @p1 $0x1  }
0x15: {  	[smem:$0x3FB7] =	sst s0;
	s0 =	simm.s32 @!p2 $0x0  }
0x16: {  	s3 =	sld [smem:$0x3FDB];
	s0 =	simm.s32 @p2 $0x1  }
0x17: {  	s4 =	simm.s32 $0x1BF5;
	[smem:$0x3FB9] =	sst s0  }
0x18: {  	s0 =	sld [smem:$0x3F9C];
	_ =	swait.ge [sflag:s4], $0x0  }
0x19: {  	s7 =	sld [smem:$0x3F9D]  }
0x1a: {  	s8 =	sadd.s32 $0xFFFFE003, lr  }
0x1b: {  	s9 =	sadd.s32 $0xFFFFFEF7, lr;
	s5 =	simm.s32 $0xFFFFFFFF;
	p2 =	slt.u32 s8, $0xFFFFF086  }
0x1c: {  	p1 =	slt.u32 s9, $0xF7A;
	s5 =	simm.s32 @!p2 $0x0  }
0x1d: {  	s5 =	simm.s32 @p1 $0x1;
	p0 =	seq.s32 s7, s2  }
0x1e: {  	s7 =	smul.u32 @!p0 $0xF7A, s2;
	p2 =	seq.s32 @!p0 s5, $0x0  }
0x1f: {  	s9 =	smul.u32 $0xF7A, s1;
	s8 =	simm.s32 @!p0 $0x1BF5;
	p2 =	por !p2, p0  }
0x20: {  	[sflag:s8] =	ssyncset.s32 @!p0 $0xFFFFF086;
	s6 =	sadd.s32 @!p0 s3, s7;
	s7 =	simm.s32 @!p0 $0x108  }
0x21: {  	s3 =	sadd.s32 s3, s9;
	s6 =	sadd.s32 @!p0 $0x88, s6;
	s7 =	simm.s32 @p2 $0x1082  }
0x22: {  	[simem:s7], [sflag:s8] =	dma.local @!p0 [hbm:s6], $0xF7A  }
0x23: {  	s9 =	sor.u32 $0xD0000000, s2;
	s6 =	simm.s32 $0x108;
	_ =	swait.ge @!p0 [sflag:s8], $0x0  }
0x24: {  	s3 =	sadd.s32 $0x88, s3;
	s6 =	simm.s32 @!p1 $0x1082;
	[sflag:s4] =	ssyncset.s32 $0xFFFFF086  }
0x25: {  	[simem:s6], [sflag:s4] =	dma.local [hbm:s3], $0xF7A  }
0x26: {  	[smem:$0x3F9D] =	sst s1;
	(tag) =	ssettag s2;
	_ =	strace s9  }
0x27: {  	s1 =	sld [smem:$0x3FAD]  }
0x28: {  	s2 =	sld [smem:$0x3FAE]  }
0x29: {  	s4 =	sld [smem:$0x3FB0]  }
0x2a: {  	p0 =	seq.s32 s5, $0x0;
	s5 =	sld [smem:$0x3FB1]  }
0x2b: {  	s6 =	sld [smem:$0x3FB2]  }
0x2c: {  	s7 =	sld [smem:$0x3FB3]  }
0x2d: {  	s3 =	simm.s32 $0x108;
	s8 =	sld [smem:$0x3FB4]  }
0x2e: {  	s3 =	simm.s32 @!p0 $0x1082;
	s9 =	sld [smem:$0x3FB5]  }
0x2f: {  	lr =	sadd.s32 s0, s3;
	s0 =	sld [smem:$0x3FAC]  }
0x30: {  	s3 =	sld [smem:$0x3FAF]  }
0x31: {  	[smem:$0x3FB8] =	sst s10  }
0x32: {  	s10 =	sld [smem:$0x3FB6];
	_ =	sdelay $0x3  }
0x33: {  	p0 =	seq.s32 s10, $0x1;
	s10 =	sld [smem:$0x3FB8];
	_ =	sdelay $0x3  }
0x34: {  	[smem:$0x3FB8] =	sst s10  }
0x35: {  	s10 =	sld [smem:$0x3FB7];
	_ =	sdelay $0x3  }
0x36: {  	p1 =	seq.s32 s10, $0x1;
	s10 =	sld [smem:$0x3FB8];
	_ =	sdelay $0x3  }
0x37: {  	[smem:$0x3FB8] =	sst s10  }
0x38: {  	s10 =	sld [smem:$0x3FB9]  }
0x39: {  	_ = 	snop;
	(pc) =	sbr.ind lr, $3  }
0x3a: {  	_ = 	snop  }
0x3b: {  	_ = 	snop  }
0x3c: {  	p2 =	seq.s32 s10, $0x1;
	s10 =	sld [smem:$0x3FB8]  }
0x3d: {  	_ =	shalt  }
0x3e: {  	_ =	shalt  }
0x3f: {  	_ =	shalt  }
0x40: {  	_ =	shalt  }
0x41: {  	_ =	shalt  }
0x42: {  	_ =	shalt  }
0x43: {  	_ =	shalt  }
0x44: {  	_ =	shalt  }
0x45: {  	_ =	shalt  }
0x46: {  	_ =	shalt  }
0x47: {  	_ =	shalt  }
0x48: {  	_ =	shalt  }
0x49: {  	_ =	shalt  }
0x4a: {  	_ =	shalt  }
0x4b: {  	_ =	shalt  }
0x4c: {  	_ =	shalt  }
0x4d: {  	_ =	shalt  }
0x4e: {  	_ =	shalt  }
0x4f: {  	_ =	shalt  }
0x50: {  	_ =	shalt  }
0x51: {  	_ =	shalt  }
0x52: {  	_ =	shalt  }
0x53: {  	_ =	shalt  }
0x54: {  	_ =	shalt  }
0x55: {  	_ =	shalt  }
0x56: {  	_ =	shalt  }
0x57: {  	_ =	shalt  }
0x58: {  	_ =	shalt  }
0x59: {  	_ =	shalt  }
0x5a: {  	_ =	shalt  }
0x5b: {  	_ =	shalt  }
0x5c: {  	_ =	shalt  }
0x5d: {  	_ =	shalt  }
0x5e: {  	_ =	shalt  }
0x5f: {  	_ =	shalt  }
0x60: {  	_ =	shalt  }
0x61: {  	_ =	shalt  }
0x62: {  	_ =	shalt  }
0x63: {  	_ =	shalt  }
0x64: {  	_ =	shalt  }
0x65: {  	_ =	shalt  }
0x66: {  	_ =	shalt  }
0x67: {  	_ =	shalt  }
0x68: {  	_ =	shalt  }
0x69: {  	_ =	shalt  }
0x6a: {  	_ =	shalt  }
0x6b: {  	_ =	shalt  }
0x6c: {  	_ =	shalt  }
0x6d: {  	_ =	shalt  }
0x6e: {  	_ =	shalt  }
0x6f: {  	_ =	shalt  }
0x70: {  	_ =	shalt  }
0x71: {  	_ =	shalt  }
0x72: {  	_ =	shalt  }
0x73: {  	_ =	shalt  }
0x74: {  	_ =	shalt  }
0x75: {  	_ =	shalt  }
0x76: {  	_ =	shalt  }
0x77: {  	_ =	shalt  }
0x78: {  	_ =	shalt  }
0x79: {  	_ =	shalt  }
0x7a: {  	_ =	shalt  }
0x7b: {  	_ =	shalt  }
0x7c: {  	_ =	shalt  }
0x7d: {  	_ =	shalt  }
0x7e: {  	_ =	shalt  }
0x7f: {  	_ =	shalt  }
0x80: {  	_ =	shalt  }
0x81: {  	_ =	shalt  }
0x82: {  	_ =	shalt  }
0x83: {  	_ =	shalt  }
0x84: {  	_ =	shalt  }
0x85: {  	_ =	shalt  }
0x86: {  	_ =	shalt  }
0x87: {  	_ =	shalt  }
.Lfunc_end0:
.L_simem_size_0:
called_computation_lowered:
.L_overlay_start_0:
0x88: {  	s2 =	sld [smem:$0x3FD9]  }
0x89: {  	s3 =	sld [smem:$0x3FFE];
	_ =	sdelay $0x1  }
0x8a: {  	s1 =	srdreg.scid  }
0x8b: {  	s0 =	sand.u32 $0x1, s1  }
0x8c: {  	s17 =	sshll.u32 s0, $0xA;
	s2 =	sadd.s32 s3, s2  }
0x8d: {  	s2 =	sadd.s32 s2, s17  }
0x8e: {  	[smem:$0x3FC4] =	sst s2  }
0x8f: {  	_ = 	snop  }
0x90: {  	s2 =	sld [smem:$0x3FD0];
	(tm) =	ssettm $0x1  }
0x91: {  	s18 =	sld [smem:$0x3FFB];
	_ =	sdelay $0x3  }
0x92: {  	_ =	strace s18  }
0x93: {  	s3 =	sld [smem:$0x3FFC];
	_ =	sdelay $0x3  }
0x94: {  	_ =	strace s3  }
0x95: {  	s3 =	sld [smem:$0x3FFD];
	_ =	sdelay $0x3  }
0x96: {  	_ =	strace s3  }
0x97: {  	_ =	strace $0x8FFFFFFF  }
0x98: {  	s19 =	sld [smem:$0x3FDB];
	_ =	sdelay $0x1  }
0x99: {  	s4 =	simm.s32 $_scs_section_size  }
0x9a: {  	s5 =	simm.s32 $_size__tile_overlayer_lowered;
	s6 =	simm.s32 $_tile_overlayer_lowered  }
0x9b: {  	s22 =	simm.s32 $0x1BFF;
	s21 =	sshll.u32 s6, $0x1;
	s3 =	sadd.s32 s4, s19  }
0x9c: {  	s7 =	simm.s32 $0x0;
	s20 =	sshll.u32 s5, $0x1;
	s5 =	sadd.s32 s21, s3  }
0x9d: {  	[timem:s7], [sflag:s22] =	dma.local [hbm:s5], s20  }
0x9e: {  	_ =	swait.ge [sflag:s22], s20  }
0x9f: {  	s4 =	ssub.s32 $0x0, s20;
	[sflag:s22] =	ssyncset.done $0x0  }
0xa0: {  	[sflag:s22] =	ssyncadd.s32 s4;
	_ =	sdelay $0x1  }
0xa1: {  	s23 =	simm.s32 $0x1B8B  }
0xa2: {  	_ =	swait.ge [sflag:s23], $0x1  }
0xa3: {  	[sflag:s23] =	ssyncset.done $0x0  }
0xa4: {  	s25 =	simm.s32 $0x1B8E;
	s24 =	sld [smem:$0x3FFE];
	[sflag:s23] =	ssyncadd.s32 $0xFFFFFFFF  }
0xa5: {  	s26 =	simm.s32 $execute0_lowered;
	[smem:$0x3FD2] =	sst s25  }
0xa6: {  	s5 =	sshll.u32 s26, $0x1;
	_ =	strace $0x80000046;
	[dreg:$0x1] =	wrdreg $0xFFFFFFFF  }
0xa7: {  	s28 =	simm.s32 $_size_execute0_lowered;
	s3 =	sadd.s32 s3, s5;
	[dreg:$0x0] =	wrdreg $0x0  }
0xa8: {  	s5 =	sshll.u32 s28, $0x1;
	[dreg:$0x2] =	wrdreg s3  }
0xa9: {  	[dreg:$0x3] =	wrdreg s5  }
0xaa: {  	[dreg:$0x4] =	wrdreg $0xC0  }
0xab: {  	_ =	task [dreg:s7], $0x5FFFF  }
0xac: {  	[dreg:$0x1] =	wrdreg $0xFFFFFFFF  }
0xad: {  	[dreg:$0x0] =	wrdreg $0x60  }
0xae: {  	[dreg:$0x2] =	wrdreg s24  }
0xaf: {  	[dreg:$0x3] =	wrdreg s2  }
0xb0: {  	[dreg:$0x4] =	wrdreg $0x9  }
0xb1: {  	_ =	task.clear_ibuf [dreg:s7], $0x5FFFF;
	_ =	strace $0x90000046  }
0xb2: {  	s29 =	simm.s32 $0x9;
	_ =	strace $0x80000048  }
0xb3: {  	_ =	swait.ge [sflag:s29], $0x1  }
0xb4: {  	[sflag:s29] =	ssyncadd.s32 $0xFFFFFFFF  }
0xb5: {  	_ =	strace $0x90000048  }
0xb6: {  	_ =	sfence  }
0xb7: {  	s30 =	sld [smem:$0x0];
	_ =	sdelay $0x2  }
0xb8: {  	s31 =	sshll.u32 s1, $0xD;
	s1 =	sshrl.u32 s1, $0x2  }
0xb9: {  	s3 =	sand.u32 $0x4000, s31;
	s1 =	sadd.s32 s1, s30  }
0xba: {  	s0 =	sor.u32 s3, s0;
	s1 =	sshll.u32 s1, $0x11  }
0xbb: {  	s0 =	sor.u32 s1, s0  }
0xbc: {  	s0 =	sadd.s32 $0x8F2B, s0  }
0xbd: {  	[sflag:s0] =	ssyncadd.remote.s32 $0x1  }
0xbe: {  	_ =	sfence.sel $0xFFFF  }
0xbf: {  	[dreg:$0x0] =	wrdreg $0xFFFFFFFF;
	(pc) =	sbr.abs _section_cstart, $3  }
0xc0: {  	[dreg:$0x1] =	wrdreg $0xFFFFFFFF  }
0xc1: {  	_ =	task.clear_ibuf [dreg:s7], $0x2FFFF;
	_ =	strace $0x9FFFFFFF  }
0xc2: {  	(tm) =	ssettm $0x7FFFFFFF  }
0xc3: {  	_ =	shalt  }
tec
execute0_lowered:
.L_overlay_start_1:
0x0: {  	(tag) =	ssettag $0x1  }
0x1: {  	s4 =	rddreg [dreg:$0x0];
	s1 =	srdreg.scid  }
0x2: {  	s0 =	stileid.u32;
	s2 =	rddreg [dreg:$0x1]  }
0x3: {  	s3 =	simm.s32 $0x0;
	s9 =	simm.s32 $0x2800;
	s10 =	simm.s32 $0x2A80  }
0x4: {  	s11 =	simm.s32 $0x1;
	s12 =	simm.s32 $0x5280;
	s13 =	simm.s32 $0x0  }
0x5: {  	s5 =	sand.u32 $0x1, s1;
	s6 =	sshll.u32 s0, $0x1;
	s1 =	rddreg [dreg:$0x2]  }
0x6: {  	[smem:$0x7FF] =	sst s3;
	s6 =	sor.u32 s5, s6;
	s5 =	ssub.s32 $0x2, s5  }
0x7: {  	s7 =	smul.u32 $0x50, s6;
	s6 =	sshll.u32 s6, $0x6;
	s8 =	sshrl.u32 s5, $0x1  }
0x8: {  	_ =	strace $0x80000047;
	s6 =	sadd.s32 s6, s4;
	s8 =	ssub.s32 s5, s8  }
0x9: {  	v0 =	vlaneseq.u32;
	s7 =	sadd.s32 s7, s4;
	s5 =	sadd.s32 $0x1800, s6;
	s6 =	smax.u32 s8, $0x1  }
0xa: {  	v0 =	vmul.u32 $0x10, v0;
	s8 =	simm.s32 $0x280;
	s4 =	sadd.s32 $0xE00, s7;
	s7 =	simm.s32 $0x2  }
.LBB2_1:
0xb: {  	[tilespmem:s3], [sflag:$0x2] =	stream.linear.gather [hbm4b:s4+s3], $0x280, $0x38;
	[tilespmem:$0x5480] =	vst v63  }
0xc: {  	_ =	swait.ge [sflag:s7], $0x280  }
0xd: {  	v1 =	vmov s3;
	[sflag:s7] =	ssyncset.done $0x0  }
0xe: {  	v1 =	vshll.u32 v1, $0x4;
	[sflag:s7] =	ssyncadd.s32 $0xFFFFFD80  }
0xf: {  	v1 =	vor.u32 v0, v1;
	v3 =	vld [tilespmem:s3+$0x0]  }
0x10: {  	v2 =	vor.u32 $0x1, v1  }
0x11: {  	v4 =	vor.u32 $0x2, v1  }
0x12: {  	v5 =	vor.u32 $0x3, v1  }
0x13: {  	v6 =	vor.u32 $0x4, v1  }
0x14: {  	v8 =	vor.u32 $0x5, v1;
	[tilespmem:v1+s8+$0x0] =	vst.idx.msk $0xffff, v3;
	v7 =	vadd.s32 $0x186A0, v3  }
0x15: {  	v59 =	vor.u32 $0x6, v1;
	[tilespmem:v2+s8+$0x0] =	vst.idx.msk $0xffff, v7;
	v2 =	vadd.s32 $0x30D40, v3  }
0x16: {  	[tilespmem:v4+s8+$0x0] =	vst.idx.msk $0xffff, v2;
	v2 =	vadd.s32 $0x493E0, v3;
	v4 =	vor.u32 $0x7, v1  }
0x17: {  	[tilespmem:v5+s8+$0x0] =	vst.idx.msk $0xffff, v2;
	v2 =	vadd.s32 $0x61A80, v3;
	v5 =	vor.u32 $0x8, v1  }
0x18: {  	v60 =	vor.u32 $0x9, v1;
	[tilespmem:v6+s8+$0x0] =	vst.idx.msk $0xffff, v2;
	v2 =	vadd.s32 $0x7A120, v3  }
0x19: {  	v61 =	vor.u32 $0xA, v1;
	[tilespmem:v8+s8+$0x0] =	vst.idx.msk $0xffff, v2;
	v2 =	vadd.s32 $0x927C0, v3  }
0x1a: {  	v62 =	vor.u32 $0xB, v1;
	[tilespmem:v59+s8+$0x0] =	vst.idx.msk $0xffff, v2;
	v2 =	vadd.s32 $0xAAE60, v3  }
0x1b: {  	[tilespmem:v4+s8+$0x0] =	vst.idx.msk $0xffff, v2;
	v2 =	vadd.s32 $0xC3500, v3;
	v4 =	vor.u32 $0xC, v1  }
0x1c: {  	[tilespmem:v5+s8+$0x0] =	vst.idx.msk $0xffff, v2;
	v2 =	vadd.s32 $0xDBBA0, v3;
	v5 =	vor.u32 $0xD, v1  }
0x1d: {  	v63 =	vor.u32 $0xE, v1;
	[tilespmem:v60+s8+$0x0] =	vst.idx.msk $0xffff, v2;
	v2 =	vadd.s32 $0xF4240, v3  }
0x1e: {  	[tilespmem:v61+s8+$0x0] =	vst.idx.msk $0xffff, v2;
	v2 =	vadd.s32 $0x10C8E0, v3  }
0x1f: {  	v1 =	vor.u32 $0xF, v1;
	[tilespmem:v62+s8+$0x0] =	vst.idx.msk $0xffff, v2;
	v2 =	vadd.s32 $0x124F80, v3  }
0x20: {  	[tilespmem:v4+s8+$0x0] =	vst.idx.msk $0xffff, v2;
	v2 =	vadd.s32 $0x13D620, v3  }
0x21: {  	s15 =	simm.s32 $0x10;
	v4 =	vadd.s32 $0x155CC0, v3;
	[tilespmem:v5+s8+$0x0] =	vst.idx.msk $0xffff, v2  }
0x22: {  	s14 =	simm.s32 $0x20;
	v3 =	vadd.s32 $0x16E360, v3;
	v2 =	vmov s15;
	s15 =	simm.s32 $0x0;
	[tilespmem:v63+s8+$0x0] =	vst.idx.msk $0xffff, v4  }
.LBB2_2:
0x23: {  	p0 =	sne.s32 s14, $0x270  }
0x24: {  	v2 =	vshll.u32 v2, $0x4;
	[tilespmem:v1+s8+$0x0] =	vst.idx.msk $0xffff, v3;
	s15 =	sadd.s32 $0x10, s15;
	s16 =	smov.u32 s14;
	s14 =	sadd.s32 $0x10, s14  }
0x25: {  	v1 =	vor.u32 v0, v2;
	v3 =	vld [tilespmem:s15+$0x0]  }
0x26: {  	v2 =	vor.u32 $0x1, v1  }
0x27: {  	v4 =	vor.u32 $0x2, v1  }
0x28: {  	v5 =	vor.u32 $0x3, v1  }
0x29: {  	v6 =	vor.u32 $0x4, v1  }
0x2a: {  	v8 =	vor.u32 $0x5, v1;
	[tilespmem:v1+s8+$0x0] =	vst.idx.msk $0xffff, v3;
	v7 =	vadd.s32 $0x186A0, v3  }
0x2b: {  	[tilespmem:v2+s8+$0x0] =	vst.idx.msk $0xffff, v7;
	v2 =	vadd.s32 $0x30D40, v3;
	v7 =	vor.u32 $0x6, v1  }
0x2c: {  	[tilespmem:v4+s8+$0x0] =	vst.idx.msk $0xffff, v2;
	v2 =	vadd.s32 $0x493E0, v3;
	v4 =	vor.u32 $0x7, v1  }
0x2d: {  	[tilespmem:v5+s8+$0x0] =	vst.idx.msk $0xffff, v2;
	v2 =	vadd.s32 $0x61A80, v3;
	v5 =	vor.u32 $0x8, v1  }
0x2e: {  	[tilespmem:v6+s8+$0x0] =	vst.idx.msk $0xffff, v2;
	v2 =	vadd.s32 $0x7A120, v3;
	v6 =	vor.u32 $0x9, v1  }
0x2f: {  	[tilespmem:v8+s8+$0x0] =	vst.idx.msk $0xffff, v2;
	v2 =	vadd.s32 $0x927C0, v3;
	v8 =	vor.u32 $0xA, v1  }
0x30: {  	[tilespmem:v7+s8+$0x0] =	vst.idx.msk $0xffff, v2;
	v2 =	vadd.s32 $0xAAE60, v3;
	v7 =	vor.u32 $0xB, v1  }
0x31: {  	[tilespmem:v4+s8+$0x0] =	vst.idx.msk $0xffff, v2;
	v2 =	vadd.s32 $0xC3500, v3;
	v4 =	vor.u32 $0xC, v1  }
0x32: {  	[tilespmem:v5+s8+$0x0] =	vst.idx.msk $0xffff, v2;
	v2 =	vadd.s32 $0xDBBA0, v3;
	v5 =	vor.u32 $0xD, v1  }
0x33: {  	[tilespmem:v6+s8+$0x0] =	vst.idx.msk $0xffff, v2;
	v2 =	vadd.s32 $0xF4240, v3;
	v6 =	vor.u32 $0xE, v1  }
.Ltmp0:
0x34: {  	v1 =	vor.u32 $0xF, v1;
	[tilespmem:v8+s8+$0x0] =	vst.idx.msk $0xffff, v2;
	v2 =	vadd.s32 $0x10C8E0, v3;
	(pc) =	sbr.rel @p0 .LBB2_2-.Ltmp0, $4  }
0x35: {  	[tilespmem:v7+s8+$0x0] =	vst.idx.msk $0xffff, v2;
	v2 =	vadd.s32 $0x124F80, v3  }
0x36: {  	[tilespmem:v4+s8+$0x0] =	vst.idx.msk $0xffff, v2;
	v2 =	vadd.s32 $0x13D620, v3  }
0x37: {  	v4 =	vadd.s32 $0x155CC0, v3;
	[tilespmem:v5+s8+$0x0] =	vst.idx.msk $0xffff, v2  }
0x38: {  	v3 =	vadd.s32 $0x16E360, v3;
	v2 =	vmov s16;
	[tilespmem:v6+s8+$0x0] =	vst.idx.msk $0xffff, v4  }
0x39: {  	_ =	sdelay $0x3  }
0x3a: {  	v2 =	vshll.u32 v2, $0x4;
	[tilespmem:v1+s8+$0x0] =	vst.idx.msk $0xffff, v3;
	s14 =	sadd.s32 $0x10, s15  }
0x3b: {  	v1 =	vor.u32 v0, v2;
	v2 =	vld [tilespmem:s14+$0x0]  }
0x3c: {  	v3 =	vor.u32 $0x1, v1  }
0x3d: {  	v4 =	vor.u32 $0x2, v1  }
0x3e: {  	v5 =	vor.u32 $0x3, v1  }
0x3f: {  	v6 =	vor.u32 $0x4, v1  }
0x40: {  	v8 =	vor.u32 $0x5, v1;
	[tilespmem:v1+s8+$0x0] =	vst.idx.msk $0xffff, v2;
	v7 =	vadd.s32 $0x186A0, v2  }
0x41: {  	v55 =	vor.u32 $0x6, v1;
	[tilespmem:v3+s8+$0x0] =	vst.idx.msk $0xffff, v7;
	v3 =	vadd.s32 $0x30D40, v2  }
0x42: {  	v56 =	vor.u32 $0x7, v1;
	[tilespmem:v4+s8+$0x0] =	vst.idx.msk $0xffff, v3;
	v3 =	vadd.s32 $0x493E0, v2  }
0x43: {  	v57 =	vor.u32 $0x8, v1;
	[tilespmem:v5+s8+$0x0] =	vst.idx.msk $0xffff, v3;
	v3 =	vadd.s32 $0x61A80, v2  }
0x44: {  	v58 =	vor.u32 $0x9, v1;
	[tilespmem:v6+s8+$0x0] =	vst.idx.msk $0xffff, v3;
	v3 =	vadd.s32 $0x7A120, v2  }
0x45: {  	v59 =	vor.u32 $0xA, v1;
	[tilespmem:v8+s8+$0x0] =	vst.idx.msk $0xffff, v3;
	v3 =	vadd.s32 $0x927C0, v2  }
0x46: {  	v60 =	vor.u32 $0xB, v1;
	[tilespmem:v55+s8+$0x0] =	vst.idx.msk $0xffff, v3;
	v3 =	vadd.s32 $0xAAE60, v2  }
0x47: {  	v61 =	vor.u32 $0xC, v1;
	[tilespmem:v56+s8+$0x0] =	vst.idx.msk $0xffff, v3;
	v3 =	vadd.s32 $0xC3500, v2  }
0x48: {  	v62 =	vor.u32 $0xD, v1;
	[tilespmem:v57+s8+$0x0] =	vst.idx.msk $0xffff, v3;
	v3 =	vadd.s32 $0xDBBA0, v2  }
0x49: {  	v63 =	vor.u32 $0xE, v1;
	[tilespmem:v58+s8+$0x0] =	vst.idx.msk $0xffff, v3;
	v3 =	vadd.s32 $0xF4240, v2  }
0x4a: {  	v1 =	vor.u32 $0xF, v1;
	[tilespmem:v59+s8+$0x0] =	vst.idx.msk $0xffff, v3;
	v3 =	vadd.s32 $0x10C8E0, v2  }
0x4b: {  	[tilespmem:v60+s8+$0x0] =	vst.idx.msk $0xffff, v3;
	v3 =	vadd.s32 $0x124F80, v2  }
0x4c: {  	[tilespmem:v61+s8+$0x0] =	vst.idx.msk $0xffff, v3;
	v3 =	vadd.s32 $0x13D620, v2  }
0x4d: {  	[tilespmem:v62+s8+$0x0] =	vst.idx.msk $0xffff, v3;
	v3 =	vadd.s32 $0x155CC0, v2  }
0x4e: {  	v2 =	vadd.s32 $0x16E360, v2;
	[tilespmem:v63+s8+$0x0] =	vst.idx.msk $0xffff, v3  }
0x4f: {  	[tilespmem:v1+s8+$0x0] =	vst.idx.msk $0xffff, v2  }
0x50: {  	[tilespmem:s10], [sflag:$0x1] =	stream.indirect.gather [hbm4b:s2+s9], $0x1, s8, s9, $0xb8;
	[tilespmem:$0x5480] =	vst v63  }
0x51: {  	_ =	swait.ge [sflag:s11], $0x2800  }
0x52: {  	[sflag:s11] =	ssyncset.done $0x0  }
0x53: {  	s15 =	simm.s32 $0x2B20;
	[sflag:s11] =	ssyncadd.s32 $0xFFFFD800  }
0x54: {  	v1 =	vld [tilespmem:s15+$0xFFFFFF70]  }
0x55: {  	s16 =	simm.s32 $0x40;
	s14 =	simm.s32 $0x0;
	v2 =	vld [tilespmem:s15+$0xFFFFFF60]  }
.LBB2_4:
0x56: {  	p0 =	sne.s32 s16, $0x7C0  }
0x57: {  	v3 =	vld [tilespmem:s15+$0xFFFFFF80];
	_ =	sdelay $0x1  }
0x58: {  	v4 =	vld [tilespmem:s15+$0xFFFFFF90]  }
0x59: {  	v1 =	vadd.f32 v1, v2  }
0x5a: {  	v2 =	vld [tilespmem:s15+$0xFFFFFFA0]  }
0x5b: {  	v1 =	vadd.f32 v3, v1  }
0x5c: {  	v3 =	vld [tilespmem:s15+$0xFFFFFFB0]  }
0x5d: {  	v1 =	vadd.f32 v4, v1  }
0x5e: {  	v4 =	vld [tilespmem:s15+$0xFFFFFFC0]  }
0x5f: {  	v1 =	vadd.f32 v2, v1  }
0x60: {  	v2 =	vld [tilespmem:s15+$0xFFFFFFD0]  }
0x61: {  	v1 =	vadd.f32 v3, v1  }
0x62: {  	v3 =	vld [tilespmem:s15+$0xFFFFFFE0]  }
0x63: {  	v1 =	vadd.f32 v4, v1  }
0x64: {  	v4 =	vld [tilespmem:s15+$0xFFFFFFF0]  }
0x65: {  	v1 =	vadd.f32 v2, v1  }
0x66: {  	v2 =	vld [tilespmem:s15+$0x0]  }
0x67: {  	v1 =	vadd.f32 v3, v1  }
0x68: {  	v3 =	vld [tilespmem:s15+$0x10]  }
0x69: {  	v1 =	vadd.f32 v4, v1  }
0x6a: {  	v4 =	vld [tilespmem:s15+$0x20]  }
0x6b: {  	v1 =	vadd.f32 v2, v1  }
0x6c: {  	v2 =	vld [tilespmem:s15+$0x30]  }
0x6d: {  	v1 =	vadd.f32 v3, v1  }
0x6e: {  	v3 =	vld [tilespmem:s15+$0x40]  }
0x6f: {  	v1 =	vadd.f32 v4, v1  }
0x70: {  	v4 =	vld [tilespmem:s15+$0x50]  }
0x71: {  	v1 =	vadd.f32 v2, v1  }
0x72: {  	v2 =	vld [tilespmem:s15+$0x60]  }
0x73: {  	v1 =	vadd.f32 v3, v1  }
0x74: {  	v3 =	vld [tilespmem:s15+$0x70]  }
0x75: {  	v1 =	vadd.f32 v4, v1  }
0x76: {  	v4 =	vld [tilespmem:s15+$0x80]  }
0x77: {  	v1 =	vadd.f32 v2, v1  }
0x78: {  	v2 =	vld [tilespmem:s15+$0x90]  }
0x79: {  	v1 =	vadd.f32 v3, v1;
	_ =	sdelay $0x1  }
0x7a: {  	v1 =	vadd.f32 v4, v1;
	_ =	sdelay $0x1  }
0x7b: {  	v1 =	vadd.f32 v2, v1;
	_ =	sdelay $0x1  }
.Ltmp1:
0x7c: {  	v1 =	vmul.f32 $5.000000070e-02, v1;
	(pc) =	sbr.rel @p0 .LBB2_4-.Ltmp1, $4  }
0x7d: {  	s17 =	sshra.s32 s14, $0x2;
	s14 =	smov.u32 s16  }
0x7e: {  	s15 =	sadd.s32 $0x140, s15;
	[tilespmem:s17+$0x5280] =	vst v1  }
0x7f: {  	v1 =	vld [tilespmem:s15+$0xFFFFFF70]  }
0x80: {  	s16 =	sadd.s32 $0x40, s16;
	v2 =	vld [tilespmem:s15+$0xFFFFFF60]  }
0x81: {  	_ = 	snop  }
0x82: {  	v3 =	vld [tilespmem:s15+$0xFFFFFF80];
	_ =	sdelay $0x1  }
0x83: {  	v4 =	vld [tilespmem:s15+$0xFFFFFF90]  }
0x84: {  	v1 =	vadd.f32 v1, v2  }
0x85: {  	v2 =	vld [tilespmem:s15+$0xFFFFFFA0]  }
0x86: {  	v1 =	vadd.f32 v3, v1  }
0x87: {  	v3 =	vld [tilespmem:s15+$0xFFFFFFB0]  }
0x88: {  	v1 =	vadd.f32 v4, v1  }
0x89: {  	v59 =	vld [tilespmem:s15+$0xFFFFFFC0]  }
0x8a: {  	v1 =	vadd.f32 v2, v1  }
0x8b: {  	v2 =	vld [tilespmem:s15+$0xFFFFFFD0]  }
0x8c: {  	v1 =	vadd.f32 v3, v1  }
0x8d: {  	v3 =	vld [tilespmem:s15+$0xFFFFFFE0]  }
0x8e: {  	v1 =	vadd.f32 v59, v1  }
0x8f: {  	v60 =	vld [tilespmem:s15+$0xFFFFFFF0]  }
0x90: {  	v1 =	vadd.f32 v2, v1  }
0x91: {  	v2 =	vld [tilespmem:s15+$0x0]  }
0x92: {  	v1 =	vadd.f32 v3, v1  }
0x93: {  	v3 =	vld [tilespmem:s15+$0x10]  }
0x94: {  	v1 =	vadd.f32 v60, v1  }
0x95: {  	v61 =	vld [tilespmem:s15+$0x20]  }
0x96: {  	v1 =	vadd.f32 v2, v1  }
0x97: {  	v2 =	vld [tilespmem:s15+$0x30]  }
0x98: {  	v1 =	vadd.f32 v3, v1  }
0x99: {  	v3 =	vld [tilespmem:s15+$0x40]  }
0x9a: {  	v1 =	vadd.f32 v61, v1  }
0x9b: {  	v62 =	vld [tilespmem:s15+$0x50]  }
0x9c: {  	v1 =	vadd.f32 v2, v1  }
0x9d: {  	v2 =	vld [tilespmem:s15+$0x60]  }
0x9e: {  	v1 =	vadd.f32 v3, v1  }
0x9f: {  	v3 =	vld [tilespmem:s15+$0x70]  }
0xa0: {  	v1 =	vadd.f32 v62, v1  }
0xa1: {  	v63 =	vld [tilespmem:s15+$0x80]  }
0xa2: {  	v1 =	vadd.f32 v2, v1  }
0xa3: {  	v2 =	vld [tilespmem:s15+$0x90]  }
0xa4: {  	v1 =	vadd.f32 v3, v1;
	_ =	sdelay $0x1  }
0xa5: {  	v1 =	vadd.f32 v63, v1;
	_ =	sdelay $0x1  }
0xa6: {  	v1 =	vadd.f32 v2, v1;
	_ =	sdelay $0x1  }
0xa7: {  	s13 =	sadd.s32 $0x1, s13;
	v1 =	vmul.f32 $5.000000070e-02, v1  }
0xa8: {  	s14 =	sshra.s32 s14, $0x2;
	p0 =	sne.s32 s13, s6  }
.Ltmp2:
0xa9: {  	[tilespmem:s14+$0x5280] =	vst v1;
	(pc) =	sbr.rel @p0 .LBB2_1-.Ltmp2, $4  }
0xaa: {  	[hbm4b:s5+s3] =	stream.linear.scatter [tilespmem:s12], [sflag:$0x2], $0x200, $0x38;
	[tilespmem:$0x5480] =	vst v63  }
0xab: {  	_ =	swait.ge [sflag:s7], $0x200  }
0xac: {  	[sflag:s7] =	ssyncset.done $0x0  }
0xad: {  	[sflag:s7] =	ssyncadd.s32 $0xFFFFFE00  }
0xae: {  	_ =	sfence.sel $0x180000  }
0xaf: {  	[bflag:$0x0] =	sbarrier.arrive $0xFFFF  }
0xb0: {  	p0 =	sne.s32 s0, $0x0;
	_ =	strace $0x90000047  }
0xb1: {  	s0 =	sadd.s32 @!p0 $0x100000, s1;
	[bflag:$0x2] =	sbarrier.arrive $0xFFFF  }
0xb2: {  	[sflag:s0] =	ssyncadd.tile.s32 @!p0 $0x1;
	_ =	shalt  }
.Lfunc_end2:
_tile_overlayer_lowered:
.L_overlay_start_2:
0xb3: {  	(tag) =	ssettag $0x2  }
0xb4: {  	s0 =	rddreg [dreg:$0x0];
	s2 =	stileid.u32  }
0xb5: {  	s1 =	rddreg [dreg:$0x1];
	p0 =	sne.s32 s2, $0x0  }
0xb6: {  	s3 =	rddreg [dreg:$0x2];
	[bflag:$0x3] =	sbarrier.arrive $0xFFFF;
	s2 =	simm.s32 @!p0 $0x1C02  }
0xb7: {  	[timem:s3], [sflag:s2] =	dma.local @!p0 [hbm:s0], s1  }
0xb8: {  	s0 =	simm.s32 @!p0 $0x2  }
0xb9: {  	_ =	swait.ge @!p0 [sflag:s0], s1  }
0xba: {  	s1 =	ssub.s32 @!p0 $0x0, s1;
	[sflag:s0] =	ssyncset.done @!p0 $0x0  }
0xbb: {  	[sflag:s0] =	ssyncadd.s32 @!p0 s1  }
0xbc: {  	[bflag:$0x3] =	sbarrier.arrive $0xFFFF  }
0xbd: {  	_ =	shalt  }

</sc_bundles>
